<compile_context>
chip_gen: v7x
topology: tpu7x:2x2x1
jax: 0.10.2.dev20260603
libtpu: 0.0.44.dev20260713+nightly
codegen_flags: <defaults>
</compile_context>

<pallas_src>
import functools

import jax
import jax.numpy as jnp
from jax.experimental import pallas as pl
from jax.experimental.pallas import tpu as pltpu
from jax.experimental.pallas import tpu_sc as plsc

_ADJ_BLOCK_ROWS = 512

_INFO = plsc.get_sparse_core_info()
_NC, _NS, _L = _INFO.num_cores, _INFO.num_subcores, _INFO.num_lanes
_NW = _NC * _NS


def _adj_body(adj_ref, adj_out_ref):
    adj_out_ref[...] = adj_ref[...]


def _adj_copy(adjacency):
    grid = (adjacency.shape[0] // _ADJ_BLOCK_ROWS,)
    return pl.pallas_call(
        _adj_body,
        grid=grid,
        in_specs=[pl.BlockSpec((_ADJ_BLOCK_ROWS, adjacency.shape[1]), lambda i: (i, 0))],
        out_specs=pl.BlockSpec((_ADJ_BLOCK_ROWS, adjacency.shape[1]), lambda i: (i, 0)),
        out_shape=jax.ShapeDtypeStruct(adjacency.shape, adjacency.dtype),
        compiler_params=pltpu.CompilerParams(dimension_semantics=("arbitrary",)),
    )(adjacency)


def _make_feat_kernel(num_nodes, feat, dtype):
    rows_per_w = num_nodes // _NW
    mesh = plsc.VectorSubcoreMesh(core_axis_name="c", subcore_axis_name="s")

    @functools.partial(
        pl.kernel,
        out_type=jax.ShapeDtypeStruct((num_nodes, feat), dtype),
        mesh=mesh,
        scratch_types=[
            pltpu.VMEM((rows_per_w, feat), dtype),
            pltpu.VMEM((_L,), jnp.int32),
        ],
        compiler_params=pltpu.CompilerParams(needs_layout_passes=False, skip_device_barrier=True),
    )
    def feat_kernel(nf_hbm, root_hbm, out_hbm, block, root_v):
        wid = jax.lax.axis_index("s") * _NC + jax.lax.axis_index("c")
        base = wid * rows_per_w
        pltpu.sync_copy(root_hbm, root_v)
        pltpu.sync_copy(nf_hbm.at[pl.ds(base, rows_per_w), :], block)
        root = root_v[...]
        lane = jax.lax.iota(jnp.int32, _L)
        zeros = jnp.zeros((_L,), dtype)
        col0 = jnp.zeros((_L,), jnp.int32)
        col1 = jnp.ones((_L,), jnp.int32)
        for t in range(rows_per_w // _L):
            local_rows = lane + t * _L
            keep = (local_rows + base) != root
            plsc.store_scatter(block, [local_rows, col0], zeros, mask=keep)
            plsc.store_scatter(block, [local_rows, col1], zeros, mask=keep)
        pltpu.sync_copy(block, out_hbm.at[pl.ds(base, rows_per_w), :])

    return feat_kernel


def kernel(node_features, adjacency):
    num_nodes, feat = node_features.shape
    root = jax.random.randint(jax.random.key(1), (), 0, num_nodes).astype(jnp.int32)
    root_arr = jnp.full((_L,), root, dtype=jnp.int32)
    adj_out = _adj_copy(adjacency)
    out_features = _make_feat_kernel(num_nodes, feat, node_features.dtype)(
        node_features, root_arr)
    return (out_features, adj_out)

# --- scband reference (transcript-rebuilt; emitter-appended) ---
"""Pipeline reference for scband-subtree-masker-4037269258950 (READ-ONLY COPY).

The authoritative reference and input builder live on the scoring server;
editing this copy changes nothing except your own understanding.
"""

import jax, jax.numpy as jnp
import numpy as np

MASK_FRAC = 0.25
MASK_IDX = 0
# NodeType.Mask.value is an external enum in the original codebase; we pin it to 0.0
NODE_TYPE_MASK_VALUE = 0.0


def setup_inputs(seed: int = 0) -> dict:
    key = jax.random.key(seed)
    k1, k2 = jax.random.split(key)
    node_features = jax.random.normal(k1, (4096, 128), dtype=jnp.float32)
    # sparse-ish 0/1 dense adjacency (avg degree ~16)
    adjacency = (jax.random.uniform(k2, (4096, 4096), dtype=jnp.float32) < (16.0 / 4096.0)).astype(jnp.float32)
    return {"node_features": node_features, "adjacency": adjacency}


def reference(node_features, adjacency):
    num_nodes = node_features.shape[0]
    num_nodes_to_mask = int(num_nodes * MASK_FRAC)
    # original uses python random.randint(0, num_nodes-1); we use a fixed-key draw
    root = jax.random.randint(jax.random.key(1), (), 0, num_nodes)
    node_mask = jnp.ones((num_nodes,), dtype=bool).at[root].set(False)
    # Faithful replication of the original BFS loop. In the original,
    # node_mask.sum() counts True entries (= nodes that WILL be masked), which
    # starts at num_nodes-1 >= num_nodes_to_mask for any mask_frac < 1, so the
    # while-loop body never executes. At this point node_mask.sum() is exactly
    # num_nodes - 1 by construction (one entry set False), so the guard is a
    # shape-derived constant. We keep the check (and a dense-frontier BFS
    # equivalent of the per-node queue) for faithfulness.
    if (num_nodes - 1) < num_nodes_to_mask:
        frontier = jnp.zeros((num_nodes,), dtype=bool).at[root].set(True)
        visited = frontier

        def _cond(carry):
            node_mask_c, visited_c, frontier_c = carry
            return jnp.logical_and(node_mask_c.sum() < num_nodes_to_mask, frontier_c.any())

        def _body(carry):
            node_mask_c, visited_c, frontier_c = carry
            neigh = (adjacency.T @ frontier_c.astype(jnp.float32)) > 0
            new_frontier = jnp.logical_and(neigh, jnp.logical_not(visited_c))
            node_mask_c = jnp.logical_and(node_mask_c, jnp.logical_not(new_frontier))
            visited_c = jnp.logical_or(visited_c, new_frontier)
            return (node_mask_c, visited_c, new_frontier)

        node_mask, visited, frontier = jax.lax.while_loop(_cond, _body, (node_mask, visited, frontier))
    # masked scatter-overwrite into feature columns 0 and 1
    col0 = jnp.where(node_mask, jnp.float32(NODE_TYPE_MASK_VALUE), node_features[:, 0])
    col1 = jnp.where(node_mask, jnp.float32(MASK_IDX), node_features[:, 1])
    out_features = node_features.at[:, 0].set(col0)
    out_features = out_features.at[:, 1].set(col1)
    return (out_features, adjacency)

if __name__ == "__main__":
    import jax
    _d = setup_inputs()
    print(jax.jit(kernel)(*tuple(_d.values())))

</pallas_src>

<mosaic_0001>
#map = affine_map<(d0, d1) -> (0, 0)>
#map1 = affine_map<(d0, d1) -> (0)>
module attributes {stable_mosaic.version = 14 : i64} {
  func.func @feat_kernel(%arg0: i32, %arg1: i32, %arg2: memref<4096x128xf32, #tpu.memory_space<hbm>>, %arg3: memref<16xi32, #tpu.memory_space<hbm>>, %arg4: memref<4096x128xf32, #tpu.memory_space<hbm>>, %arg5: memref<128x128xf32, #tpu.memory_space<vmem>>, %arg6: memref<16xi32, #tpu.memory_space<vmem>>) attributes {dimension_semantics = [#tpu.dimension_semantics<core_parallel>, #tpu.dimension_semantics<subcore_parallel>], iteration_bounds = array<i64: 2, 16>, scalar_prefetch = 0 : i64, scratch_operands = 2 : i64, tpu.core_type = #tpu.core_type<sc_vector_subcore>, window_params = [{transform_indices = #map}, {transform_indices = #map1}, {transform_indices = #map}]} {
    %mul3A = arith.constant 2 : i32
    %mul3A_0 = arith.muli %arg1, %mul3A : i32
    %add3A = arith.addi %mul3A_0, %arg0 : i32
    %mul3A_1 = arith.constant 128 : i32
    %mul3A_2 = arith.muli %add3A, %mul3A_1 : i32
    "tpu.region"() ({
      %run_scoped3A = tpu.sem_alloc : memref<!tpu.dma_semaphore, #tpu.memory_space<semaphore_mem>>
      tpu.enqueue_dma source(%arg3 : memref<16xi32, #tpu.memory_space<hbm>>) target(%arg6 : memref<16xi32, #tpu.memory_space<vmem>>) target_semaphore(%run_scoped3A : memref<!tpu.dma_semaphore, #tpu.memory_space<semaphore_mem>>)
      tpu.wait_dma2 semaphore(%run_scoped3A : memref<!tpu.dma_semaphore, #tpu.memory_space<semaphore_mem>>) src(%arg3 : memref<16xi32, #tpu.memory_space<hbm>>) dst(%arg6 : memref<16xi32, #tpu.memory_space<vmem>>)
      tpu.yield
    }) : () -> ()
    "tpu.region"() ({
      %run_scoped3A = tpu.sem_alloc : memref<!tpu.dma_semaphore, #tpu.memory_space<semaphore_mem>>
      %dma_start3A = arith.constant 0 : i32
      %dma_start3A_56 = tpu.memref_slice %arg2[%mul3A_2, %dma_start3A] : memref<4096x128xf32, #tpu.memory_space<hbm>> -> memref<128x128xf32, #tpu.memory_space<hbm>>
      %dma_start3A_57 = arith.constant 0 : i32
      %dma_start3A_58 = tpu.memref_slice %arg2[%mul3A_2, %dma_start3A_57] : memref<4096x128xf32, #tpu.memory_space<hbm>> -> memref<128x128xf32, #tpu.memory_space<hbm>>
      tpu.enqueue_dma source(%dma_start3A_58 : memref<128x128xf32, #tpu.memory_space<hbm>>) target(%arg5 : memref<128x128xf32, #tpu.memory_space<vmem>>) target_semaphore(%run_scoped3A : memref<!tpu.dma_semaphore, #tpu.memory_space<semaphore_mem>>)
      %dma_wait3A = arith.constant 0 : i32
      %dma_wait3A_59 = tpu.memref_slice %arg2[%mul3A_2, %dma_wait3A] : memref<4096x128xf32, #tpu.memory_space<hbm>> -> memref<128x128xf32, #tpu.memory_space<hbm>>
      %dma_wait3A_60 = arith.constant 0 : i32
      %dma_wait3A_61 = tpu.memref_slice %arg2[%mul3A_2, %dma_wait3A_60] : memref<4096x128xf32, #tpu.memory_space<hbm>> -> memref<128x128xf32, #tpu.memory_space<hbm>>
      tpu.wait_dma2 semaphore(%run_scoped3A : memref<!tpu.dma_semaphore, #tpu.memory_space<semaphore_mem>>) src(%dma_wait3A_61 : memref<128x128xf32, #tpu.memory_space<hbm>>) dst(%arg5 : memref<128x128xf32, #tpu.memory_space<vmem>>)
      tpu.yield
    }) : () -> ()
    %get3A = arith.constant 0 : index
    %get3A_3 = tpu.vector_load %arg6[%get3A] {strides = array<i32>} : memref<16xi32, #tpu.memory_space<vmem>>, vector<16xi32>,
    %iota3A = tpu.iota {dimensions = array<i32: 0>} : vector<16xi32>
    %broadcast_in_dim3A = arith.constant 0.000000e+00 : f32
    %broadcast_in_dim3A_4 = vector.broadcast %broadcast_in_dim3A : f32 to vector<16xf32>
    %broadcast_in_dim3A_5 = arith.constant 0 : i32
    %broadcast_in_dim3A_6 = vector.broadcast %broadcast_in_dim3A_5 : i32 to vector<16xi32>
    %broadcast_in_dim3A_7 = arith.constant 1 : i32
    %broadcast_in_dim3A_8 = vector.broadcast %broadcast_in_dim3A_7 : i32 to vector<16xi32>
    %add3A_9 = arith.constant 0 : i32
    %add3A_10 = vector.broadcast %add3A_9 : i32 to vector<16xi32>
    %add3A_11 = arith.addi %iota3A, %add3A_10 : vector<16xi32>
    %add3A_12 = vector.broadcast %mul3A_2 : i32 to vector<16xi32>
    %add3A_13 = arith.addi %add3A_11, %add3A_12 : vector<16xi32>
    %ne3A = arith.cmpi ne, %add3A_13, %get3A_3 : vector<16xi32>
    tpu.vector_store_idx %arg5[%add3A_11, %broadcast_in_dim3A_6], %broadcast_in_dim3A_4 masked %ne3A : memref<128x128xf32, #tpu.memory_space<vmem>>[vector<16xi32>, vector<16xi32>], vector<16xf32>, vector<16xi1>
    tpu.vector_store_idx %arg5[%add3A_11, %broadcast_in_dim3A_8], %broadcast_in_dim3A_4 masked %ne3A : memref<128x128xf32, #tpu.memory_space<vmem>>[vector<16xi32>, vector<16xi32>], vector<16xf32>, vector<16xi1>
    %add3A_14 = arith.constant 16 : i32
    %add3A_15 = vector.broadcast %add3A_14 : i32 to vector<16xi32>
    %add3A_16 = arith.addi %iota3A, %add3A_15 : vector<16xi32>
    %add3A_17 = vector.broadcast %mul3A_2 : i32 to vector<16xi32>
    %add3A_18 = arith.addi %add3A_16, %add3A_17 : vector<16xi32>
    %ne3A_19 = arith.cmpi ne, %add3A_18, %get3A_3 : vector<16xi32>
    tpu.vector_store_idx %arg5[%add3A_16, %broadcast_in_dim3A_6], %broadcast_in_dim3A_4 masked %ne3A_19 : memref<128x128xf32, #tpu.memory_space<vmem>>[vector<16xi32>, vector<16xi32>], vector<16xf32>, vector<16xi1>
    tpu.vector_store_idx %arg5[%add3A_16, %broadcast_in_dim3A_8], %broadcast_in_dim3A_4 masked %ne3A_19 : memref<128x128xf32, #tpu.memory_space<vmem>>[vector<16xi32>, vector<16xi32>], vector<16xf32>, vector<16xi1>
    %add3A_20 = arith.constant 32 : i32
    %add3A_21 = vector.broadcast %add3A_20 : i32 to vector<16xi32>
    %add3A_22 = arith.addi %iota3A, %add3A_21 : vector<16xi32>
    %add3A_23 = vector.broadcast %mul3A_2 : i32 to vector<16xi32>
    %add3A_24 = arith.addi %add3A_22, %add3A_23 : vector<16xi32>
    %ne3A_25 = arith.cmpi ne, %add3A_24, %get3A_3 : vector<16xi32>
    tpu.vector_store_idx %arg5[%add3A_22, %broadcast_in_dim3A_6], %broadcast_in_dim3A_4 masked %ne3A_25 : memref<128x128xf32, #tpu.memory_space<vmem>>[vector<16xi32>, vector<16xi32>], vector<16xf32>, vector<16xi1>
    tpu.vector_store_idx %arg5[%add3A_22, %broadcast_in_dim3A_8], %broadcast_in_dim3A_4 masked %ne3A_25 : memref<128x128xf32, #tpu.memory_space<vmem>>[vector<16xi32>, vector<16xi32>], vector<16xf32>, vector<16xi1>
    %add3A_26 = arith.constant 48 : i32
    %add3A_27 = vector.broadcast %add3A_26 : i32 to vector<16xi32>
    %add3A_28 = arith.addi %iota3A, %add3A_27 : vector<16xi32>
    %add3A_29 = vector.broadcast %mul3A_2 : i32 to vector<16xi32>
    %add3A_30 = arith.addi %add3A_28, %add3A_29 : vector<16xi32>
    %ne3A_31 = arith.cmpi ne, %add3A_30, %get3A_3 : vector<16xi32>
    tpu.vector_store_idx %arg5[%add3A_28, %broadcast_in_dim3A_6], %broadcast_in_dim3A_4 masked %ne3A_31 : memref<128x128xf32, #tpu.memory_space<vmem>>[vector<16xi32>, vector<16xi32>], vector<16xf32>, vector<16xi1>
    tpu.vector_store_idx %arg5[%add3A_28, %broadcast_in_dim3A_8], %broadcast_in_dim3A_4 masked %ne3A_31 : memref<128x128xf32, #tpu.memory_space<vmem>>[vector<16xi32>, vector<16xi32>], vector<16xf32>, vector<16xi1>
    %add3A_32 = arith.constant 64 : i32
    %add3A_33 = vector.broadcast %add3A_32 : i32 to vector<16xi32>
    %add3A_34 = arith.addi %iota3A, %add3A_33 : vector<16xi32>
    %add3A_35 = vector.broadcast %mul3A_2 : i32 to vector<16xi32>
    %add3A_36 = arith.addi %add3A_34, %add3A_35 : vector<16xi32>
    %ne3A_37 = arith.cmpi ne, %add3A_36, %get3A_3 : vector<16xi32>
    tpu.vector_store_idx %arg5[%add3A_34, %broadcast_in_dim3A_6], %broadcast_in_dim3A_4 masked %ne3A_37 : memref<128x128xf32, #tpu.memory_space<vmem>>[vector<16xi32>, vector<16xi32>], vector<16xf32>, vector<16xi1>
    tpu.vector_store_idx %arg5[%add3A_34, %broadcast_in_dim3A_8], %broadcast_in_dim3A_4 masked %ne3A_37 : memref<128x128xf32, #tpu.memory_space<vmem>>[vector<16xi32>, vector<16xi32>], vector<16xf32>, vector<16xi1>
    %add3A_38 = arith.constant 80 : i32
    %add3A_39 = vector.broadcast %add3A_38 : i32 to vector<16xi32>
    %add3A_40 = arith.addi %iota3A, %add3A_39 : vector<16xi32>
    %add3A_41 = vector.broadcast %mul3A_2 : i32 to vector<16xi32>
    %add3A_42 = arith.addi %add3A_40, %add3A_41 : vector<16xi32>
    %ne3A_43 = arith.cmpi ne, %add3A_42, %get3A_3 : vector<16xi32>
    tpu.vector_store_idx %arg5[%add3A_40, %broadcast_in_dim3A_6], %broadcast_in_dim3A_4 masked %ne3A_43 : memref<128x128xf32, #tpu.memory_space<vmem>>[vector<16xi32>, vector<16xi32>], vector<16xf32>, vector<16xi1>
    tpu.vector_store_idx %arg5[%add3A_40, %broadcast_in_dim3A_8], %broadcast_in_dim3A_4 masked %ne3A_43 : memref<128x128xf32, #tpu.memory_space<vmem>>[vector<16xi32>, vector<16xi32>], vector<16xf32>, vector<16xi1>
    %add3A_44 = arith.constant 96 : i32
    %add3A_45 = vector.broadcast %add3A_44 : i32 to vector<16xi32>
    %add3A_46 = arith.addi %iota3A, %add3A_45 : vector<16xi32>
    %add3A_47 = vector.broadcast %mul3A_2 : i32 to vector<16xi32>
    %add3A_48 = arith.addi %add3A_46, %add3A_47 : vector<16xi32>
    %ne3A_49 = arith.cmpi ne, %add3A_48, %get3A_3 : vector<16xi32>
    tpu.vector_store_idx %arg5[%add3A_46, %broadcast_in_dim3A_6], %broadcast_in_dim3A_4 masked %ne3A_49 : memref<128x128xf32, #tpu.memory_space<vmem>>[vector<16xi32>, vector<16xi32>], vector<16xf32>, vector<16xi1>
    tpu.vector_store_idx %arg5[%add3A_46, %broadcast_in_dim3A_8], %broadcast_in_dim3A_4 masked %ne3A_49 : memref<128x128xf32, #tpu.memory_space<vmem>>[vector<16xi32>, vector<16xi32>], vector<16xf32>, vector<16xi1>
    %add3A_50 = arith.constant 112 : i32
    %add3A_51 = vector.broadcast %add3A_50 : i32 to vector<16xi32>
    %add3A_52 = arith.addi %iota3A, %add3A_51 : vector<16xi32>
    %add3A_53 = vector.broadcast %mul3A_2 : i32 to vector<16xi32>
    %add3A_54 = arith.addi %add3A_52, %add3A_53 : vector<16xi32>
    %ne3A_55 = arith.cmpi ne, %add3A_54, %get3A_3 : vector<16xi32>
    tpu.vector_store_idx %arg5[%add3A_52, %broadcast_in_dim3A_6], %broadcast_in_dim3A_4 masked %ne3A_55 : memref<128x128xf32, #tpu.memory_space<vmem>>[vector<16xi32>, vector<16xi32>], vector<16xf32>, vector<16xi1>
    tpu.vector_store_idx %arg5[%add3A_52, %broadcast_in_dim3A_8], %broadcast_in_dim3A_4 masked %ne3A_55 : memref<128x128xf32, #tpu.memory_space<vmem>>[vector<16xi32>, vector<16xi32>], vector<16xf32>, vector<16xi1>
    "tpu.region"() ({
      %run_scoped3A = tpu.sem_alloc : memref<!tpu.dma_semaphore, #tpu.memory_space<semaphore_mem>>
      %dma_start3A = arith.constant 0 : i32
      %dma_start3A_56 = tpu.memref_slice %arg4[%mul3A_2, %dma_start3A] : memref<4096x128xf32, #tpu.memory_space<hbm>> -> memref<128x128xf32, #tpu.memory_space<hbm>>
      %dma_start3A_57 = arith.constant 0 : i32
      %dma_start3A_58 = tpu.memref_slice %arg4[%mul3A_2, %dma_start3A_57] : memref<4096x128xf32, #tpu.memory_space<hbm>> -> memref<128x128xf32, #tpu.memory_space<hbm>>
      tpu.enqueue_dma source(%arg5 : memref<128x128xf32, #tpu.memory_space<vmem>>) target(%dma_start3A_58 : memref<128x128xf32, #tpu.memory_space<hbm>>) target_semaphore(%run_scoped3A : memref<!tpu.dma_semaphore, #tpu.memory_space<semaphore_mem>>)
      %dma_wait3A = arith.constant 0 : i32
      %dma_wait3A_59 = tpu.memref_slice %arg4[%mul3A_2, %dma_wait3A] : memref<4096x128xf32, #tpu.memory_space<hbm>> -> memref<128x128xf32, #tpu.memory_space<hbm>>
      %dma_wait3A_60 = arith.constant 0 : i32
      %dma_wait3A_61 = tpu.memref_slice %arg4[%mul3A_2, %dma_wait3A_60] : memref<4096x128xf32, #tpu.memory_space<hbm>> -> memref<128x128xf32, #tpu.memory_space<hbm>>
      tpu.wait_dma2 semaphore(%run_scoped3A : memref<!tpu.dma_semaphore, #tpu.memory_space<semaphore_mem>>) src(%arg5 : memref<128x128xf32, #tpu.memory_space<vmem>>) dst(%dma_wait3A_61 : memref<128x128xf32, #tpu.memory_space<hbm>>)
      tpu.yield
    }) : () -> ()
    return
  }
}

module attributes {stable_mosaic.version = 14 : i64} {
  func.func @_adj_body(%arg0: i32, %arg1: memref<512x4096xf32, #tpu.memory_space<vmem>>, %arg2: memref<512x4096xf32, #tpu.memory_space<vmem>>) attributes {dimension_semantics = [#tpu.dimension_semantics<arbitrary>], iteration_bounds = array<i64: 8>, scalar_prefetch = 0 : i64, scratch_operands = 0 : i64, tpu.core_type = #tpu.core_type<tc>, window_params = [{transform_indices = @transform_0, window_bounds = array<i64: 512, 4096>}, {transform_indices = @transform_1, window_bounds = array<i64: 512, 4096>}]} {
    %get3A = arith.constant 0 : index
    %get3A_0 = arith.constant 0 : index
    %get3A_1 = vector.load %arg1[%get3A, %get3A_0] : memref<512x4096xf32, #tpu.memory_space<vmem>>, vector<512x4096xf32>
    %swap3A = arith.constant 0 : index
    %swap3A_2 = arith.constant 0 : index
    %swap3A_3 = vector.load %arg2[%swap3A, %swap3A_2] : memref<512x4096xf32, #tpu.memory_space<vmem>>, vector<512x4096xf32>
    tpu.vector_store %arg2[%swap3A, %swap3A_2], %get3A_1 {strides = array<i32>} : memref<512x4096xf32, #tpu.memory_space<vmem>>, vector<512x4096xf32>,
    return
  }
  func.func @transform_0(%arg0: i32) -> (i32, i32) {
    %c0_i32 = arith.constant 0 : i32
    %c0_i32_0 = arith.constant 0 : i32
    return %arg0, %c0_i32 : i32, i32
  }
  func.func @transform_1(%arg0: i32) -> (i32, i32) {
    %c0_i32 = arith.constant 0 : i32
    %c0_i32_0 = arith.constant 0 : i32
    return %arg0, %c0_i32 : i32, i32
  }
}

</mosaic_0001>

<sc_bundles>
// kernel: kernel.4.cloned.1.call-start
scs
__scs_entry_jumppad:
0x0: {  	(pc) =	sbr.rel $0x88, $3  }
0x1: {  	(tag) =	ssettag $0x0;
	lr =	simm.s32 $0x1  }
0x2: {  	[smem:$0x3F9F] =	sst lr;
	_ =	strace $0xD0000000  }
0x3: {  	_ = 	snop  }
0x4: {  	_ = 	snop  }
0x5: {  	_ = 	snop  }
0x6: {  	_ = 	snop  }
0x7: {  	_ = 	snop  }
__scs_overlays_trampoline_lowered:
0x8: {  	[smem:$0x3FAE] =	sst s0  }
0x9: {  	[smem:$0x3FAF] =	sst s1  }
0xa: {  	[smem:$0x3FB0] =	sst s2  }
0xb: {  	[smem:$0x3FB1] =	sst s3  }
0xc: {  	[smem:$0x3FB2] =	sst s4  }
0xd: {  	[smem:$0x3FB3] =	sst s5  }
0xe: {  	[smem:$0x3FB4] =	sst s6  }
0xf: {  	[smem:$0x3FB5] =	sst s7  }
0x10: {  	[smem:$0x3FB6] =	sst s8  }
0x11: {  	[smem:$0x3FB7] =	sst s9;
	s0 =	simm.s32 @!p0 $0x0  }
0x12: {  	s1 =	sld [smem:$0x3F9D];
	s0 =	simm.s32 @p0 $0x1  }
0x13: {  	[smem:$0x3FB8] =	sst s0;
	s0 =	simm.s32 @!p1 $0x0  }
0x14: {  	s2 =	sld [smem:$0x3F9C];
	s0 =	simm.s32 @p1 $0x1  }
0x15: {  	[smem:$0x3FB9] =	sst s0;
	s0 =	simm.s32 @!p2 $0x0  }
0x16: {  	s3 =	sld [smem:$0x3FDB];
	s0 =	simm.s32 @p2 $0x1  }
0x17: {  	s4 =	simm.s32 $0x1BF5;
	[smem:$0x3FBB] =	sst s0  }
0x18: {  	s0 =	sld [smem:$0x3F9E];
	_ =	swait.ge [sflag:s4], $0x0  }
0x19: {  	s7 =	sld [smem:$0x3F9F]  }
0x1a: {  	s8 =	sadd.s32 $0xFFFFE003, lr  }
0x1b: {  	s9 =	sadd.s32 $0xFFFFFEF7, lr;
	s5 =	simm.s32 $0xFFFFFFFF;
	p2 =	slt.u32 s8, $0xFFFFF086  }
0x1c: {  	p1 =	slt.u32 s9, $0xF7A;
	s5 =	simm.s32 @!p2 $0x0  }
0x1d: {  	s5 =	simm.s32 @p1 $0x1;
	p0 =	seq.s32 s7, s2  }
0x1e: {  	s7 =	smul.u32 @!p0 $0xF7A, s2;
	p2 =	seq.s32 @!p0 s5, $0x0  }
0x1f: {  	s9 =	smul.u32 $0xF7A, s1;
	s8 =	simm.s32 @!p0 $0x1BF5;
	p2 =	por !p2, p0  }
0x20: {  	[sflag:s8] =	ssyncset.s32 @!p0 $0xFFFFF086;
	s6 =	sadd.s32 @!p0 s3, s7;
	s7 =	simm.s32 @!p0 $0x108  }
0x21: {  	s3 =	sadd.s32 s3, s9;
	s6 =	sadd.s32 @!p0 $0x88, s6;
	s7 =	simm.s32 @p2 $0x1082  }
0x22: {  	[simem:s7], [sflag:s8] =	dma.local @!p0 [hbm:s6], $0xF7A  }
0x23: {  	s9 =	sor.u32 $0xD0000000, s2;
	s6 =	simm.s32 $0x108;
	_ =	swait.ge @!p0 [sflag:s8], $0x0  }
0x24: {  	s3 =	sadd.s32 $0x88, s3;
	s6 =	simm.s32 @!p1 $0x1082;
	[sflag:s4] =	ssyncset.s32 $0xFFFFF086  }
0x25: {  	[simem:s6], [sflag:s4] =	dma.local [hbm:s3], $0xF7A  }
0x26: {  	[smem:$0x3F9F] =	sst s1;
	(tag) =	ssettag s2;
	_ =	strace s9  }
0x27: {  	s1 =	sld [smem:$0x3FAF]  }
0x28: {  	s2 =	sld [smem:$0x3FB0]  }
0x29: {  	s4 =	sld [smem:$0x3FB2]  }
0x2a: {  	p0 =	seq.s32 s5, $0x0;
	s5 =	sld [smem:$0x3FB3]  }
0x2b: {  	s6 =	sld [smem:$0x3FB4]  }
0x2c: {  	s7 =	sld [smem:$0x3FB5]  }
0x2d: {  	s3 =	simm.s32 $0x108;
	s8 =	sld [smem:$0x3FB6]  }
0x2e: {  	s3 =	simm.s32 @!p0 $0x1082;
	s9 =	sld [smem:$0x3FB7]  }
0x2f: {  	lr =	sadd.s32 s0, s3;
	s0 =	sld [smem:$0x3FAE]  }
0x30: {  	s3 =	sld [smem:$0x3FB1]  }
0x31: {  	[smem:$0x3FBA] =	sst s10  }
0x32: {  	s10 =	sld [smem:$0x3FB8];
	_ =	sdelay $0x3  }
0x33: {  	p0 =	seq.s32 s10, $0x1;
	s10 =	sld [smem:$0x3FBA];
	_ =	sdelay $0x3  }
0x34: {  	[smem:$0x3FBA] =	sst s10  }
0x35: {  	s10 =	sld [smem:$0x3FB9];
	_ =	sdelay $0x3  }
0x36: {  	p1 =	seq.s32 s10, $0x1;
	s10 =	sld [smem:$0x3FBA];
	_ =	sdelay $0x3  }
0x37: {  	[smem:$0x3FBA] =	sst s10  }
0x38: {  	s10 =	sld [smem:$0x3FBB]  }
0x39: {  	_ = 	snop;
	(pc) =	sbr.ind lr, $3  }
0x3a: {  	_ = 	snop  }
0x3b: {  	_ = 	snop  }
0x3c: {  	p2 =	seq.s32 s10, $0x1;
	s10 =	sld [smem:$0x3FBA]  }
0x3d: {  	_ =	shalt  }
0x3e: {  	_ =	shalt  }
0x3f: {  	_ =	shalt  }
0x40: {  	_ =	shalt  }
0x41: {  	_ =	shalt  }
0x42: {  	_ =	shalt  }
0x43: {  	_ =	shalt  }
0x44: {  	_ =	shalt  }
0x45: {  	_ =	shalt  }
0x46: {  	_ =	shalt  }
0x47: {  	_ =	shalt  }
0x48: {  	_ =	shalt  }
0x49: {  	_ =	shalt  }
0x4a: {  	_ =	shalt  }
0x4b: {  	_ =	shalt  }
0x4c: {  	_ =	shalt  }
0x4d: {  	_ =	shalt  }
0x4e: {  	_ =	shalt  }
0x4f: {  	_ =	shalt  }
0x50: {  	_ =	shalt  }
0x51: {  	_ =	shalt  }
0x52: {  	_ =	shalt  }
0x53: {  	_ =	shalt  }
0x54: {  	_ =	shalt  }
0x55: {  	_ =	shalt  }
0x56: {  	_ =	shalt  }
0x57: {  	_ =	shalt  }
0x58: {  	_ =	shalt  }
0x59: {  	_ =	shalt  }
0x5a: {  	_ =	shalt  }
0x5b: {  	_ =	shalt  }
0x5c: {  	_ =	shalt  }
0x5d: {  	_ =	shalt  }
0x5e: {  	_ =	shalt  }
0x5f: {  	_ =	shalt  }
0x60: {  	_ =	shalt  }
0x61: {  	_ =	shalt  }
0x62: {  	_ =	shalt  }
0x63: {  	_ =	shalt  }
0x64: {  	_ =	shalt  }
0x65: {  	_ =	shalt  }
0x66: {  	_ =	shalt  }
0x67: {  	_ =	shalt  }
0x68: {  	_ =	shalt  }
0x69: {  	_ =	shalt  }
0x6a: {  	_ =	shalt  }
0x6b: {  	_ =	shalt  }
0x6c: {  	_ =	shalt  }
0x6d: {  	_ =	shalt  }
0x6e: {  	_ =	shalt  }
0x6f: {  	_ =	shalt  }
0x70: {  	_ =	shalt  }
0x71: {  	_ =	shalt  }
0x72: {  	_ =	shalt  }
0x73: {  	_ =	shalt  }
0x74: {  	_ =	shalt  }
0x75: {  	_ =	shalt  }
0x76: {  	_ =	shalt  }
0x77: {  	_ =	shalt  }
0x78: {  	_ =	shalt  }
0x79: {  	_ =	shalt  }
0x7a: {  	_ =	shalt  }
0x7b: {  	_ =	shalt  }
0x7c: {  	_ =	shalt  }
0x7d: {  	_ =	shalt  }
0x7e: {  	_ =	shalt  }
0x7f: {  	_ =	shalt  }
0x80: {  	_ =	shalt  }
0x81: {  	_ =	shalt  }
0x82: {  	_ =	shalt  }
0x83: {  	_ =	shalt  }
0x84: {  	_ =	shalt  }
0x85: {  	_ =	shalt  }
0x86: {  	_ =	shalt  }
0x87: {  	_ =	shalt  }
.Lfunc_end0:
.L_simem_size_0:
called_computation_lowered:
.L_overlay_start_0:
0x88: {  	s2 =	sld [smem:$0x3FD9]  }
0x89: {  	s3 =	sld [smem:$0x3FFE];
	_ =	sdelay $0x1  }
0x8a: {  	s1 =	srdreg.scid  }
0x8b: {  	s0 =	sand.u32 $0x1, s1  }
0x8c: {  	s14 =	sshll.u32 s0, $0xA;
	s2 =	sadd.s32 s3, s2  }
0x8d: {  	s2 =	sadd.s32 s2, s14  }
0x8e: {  	[smem:$0x3FC6] =	sst s2  }
0x8f: {  	_ = 	snop  }
0x90: {  	s2 =	sld [smem:$0x3FD0];
	_ =	sdelay $0x2  }
0x91: {  	s4 =	simm.s32 $0xA;
	s5 =	simm.s32 $0x10;
	s15 =	sld [smem:$0x3FC9]  }
0x92: {  	[smem:s5], [sflag:s4] =	dma.local [hbm:s2], $0x1  }
0x93: {  	_ =	swait.eq [sflag:s4], $0x1  }
0x94: {  	[sflag:s4] =	ssyncset.done $0x0  }
0x95: {  	[sflag:s4] =	ssyncadd.s32 $0xFFFFFFFF  }
0x96: {  	s16 =	sld [smem:$0x10];
	(tm) =	ssettm $0x1  }
0x97: {  	s17 =	sld [smem:$0x3FFB];
	_ =	sdelay $0x3  }
0x98: {  	_ =	strace s17  }
0x99: {  	s4 =	sld [smem:$0x3FFC];
	_ =	sdelay $0x3  }
0x9a: {  	_ =	strace s4  }
0x9b: {  	s4 =	sld [smem:$0x3FFD];
	_ =	sdelay $0x3  }
0x9c: {  	_ =	strace s4  }
0x9d: {  	_ =	strace $0x8FFFFFFF  }
0x9e: {  	s18 =	sld [smem:$0x3FDB];
	_ =	sdelay $0x1  }
0x9f: {  	s19 =	simm.s32 $_scs_section_size  }
0xa0: {  	s6 =	simm.s32 $_size__tile_overlayer_lowered;
	s7 =	simm.s32 $_tile_overlayer_lowered  }
0xa1: {  	s22 =	simm.s32 $0x1BFF;
	s21 =	sshll.u32 s7, $0x1;
	s4 =	sadd.s32 s19, s18  }
0xa2: {  	s8 =	simm.s32 $0x0;
	s20 =	sshll.u32 s6, $0x1;
	s6 =	sadd.s32 s21, s4  }
0xa3: {  	[timem:s8], [sflag:s22] =	dma.local [hbm:s6], s20  }
0xa4: {  	_ =	swait.ge [sflag:s22], s20  }
0xa5: {  	s5 =	ssub.s32 $0x0, s20;
	[sflag:s22] =	ssyncset.done $0x0  }
0xa6: {  	[sflag:s22] =	ssyncadd.s32 s5;
	_ =	sdelay $0x1  }
0xa7: {  	s23 =	simm.s32 $0x1B8B  }
0xa8: {  	_ =	swait.ge [sflag:s23], $0x1  }
0xa9: {  	[sflag:s23] =	ssyncset.done $0x0  }
0xaa: {  	s25 =	simm.s32 $0x1B8E;
	s24 =	sld [smem:$0x3FFE];
	[sflag:s23] =	ssyncadd.s32 $0xFFFFFFFF  }
0xab: {  	s26 =	simm.s32 $execute0_lowered;
	[smem:$0x3FD2] =	sst s25  }
0xac: {  	s6 =	sshll.u32 s26, $0x1;
	_ =	strace $0x80000046;
	[dreg:$0x1] =	wrdreg $0xFFFFFFFF  }
0xad: {  	s28 =	simm.s32 $_size_execute0_lowered;
	s4 =	sadd.s32 s4, s6;
	[dreg:$0x0] =	wrdreg $0x0  }
0xae: {  	s6 =	sshll.u32 s28, $0x1;
	[dreg:$0x2] =	wrdreg s4  }
0xaf: {  	[dreg:$0x3] =	wrdreg s6  }
0xb0: {  	[dreg:$0x4] =	wrdreg $0xC0  }
0xb1: {  	_ =	task [dreg:s8], $0x5FFFF  }
0xb2: {  	[dreg:$0x1] =	wrdreg $0xFFFFFFFF  }
0xb3: {  	[dreg:$0x0] =	wrdreg $0x60  }
0xb4: {  	[dreg:$0x2] =	wrdreg s15  }
0xb5: {  	[dreg:$0x3] =	wrdreg s24  }
0xb6: {  	[dreg:$0x4] =	wrdreg s16  }
0xb7: {  	[dreg:$0x5] =	wrdreg $0x9  }
0xb8: {  	_ =	task.clear_ibuf [dreg:s8], $0x6FFFF;
	_ =	strace $0x90000046  }
0xb9: {  	s29 =	simm.s32 $0x9;
	_ =	strace $0x80000048  }
0xba: {  	_ =	swait.ge [sflag:s29], $0x1  }
0xbb: {  	[sflag:s29] =	ssyncadd.s32 $0xFFFFFFFF  }
0xbc: {  	_ =	strace $0x90000048  }
0xbd: {  	_ =	sfence  }
0xbe: {  	s30 =	sld [smem:$0x0];
	_ =	sdelay $0x2  }
0xbf: {  	s31 =	sshll.u32 s1, $0xD;
	s1 =	sshrl.u32 s1, $0x2  }
0xc0: {  	s3 =	sand.u32 $0x4000, s31;
	s1 =	sadd.s32 s1, s30  }
0xc1: {  	s0 =	sor.u32 s3, s0;
	s1 =	sshll.u32 s1, $0x11  }
0xc2: {  	s0 =	sor.u32 s1, s0  }
0xc3: {  	s0 =	sadd.s32 $0x8F2B, s0  }
0xc4: {  	[sflag:s0] =	ssyncadd.remote.s32 $0x1  }
0xc5: {  	_ =	sfence.sel $0xFFFF  }
0xc6: {  	[dreg:$0x0] =	wrdreg $0xFFFFFFFF;
	(pc) =	sbr.abs _section_cstart, $3  }
0xc7: {  	[dreg:$0x1] =	wrdreg $0xFFFFFFFF  }
0xc8: {  	_ =	task.clear_ibuf [dreg:s8], $0x2FFFF;
	_ =	strace $0x9FFFFFFF  }
0xc9: {  	(tm) =	ssettm $0x7FFFFFFF  }
tec
execute0_lowered:
.L_overlay_start_1:
0x0: {  	(tag) =	ssettag $0x1  }
0x1: {  	s6 =	rddreg [dreg:$0x0]  }
0x2: {  	s3 =	rddreg [dreg:$0x1]  }
0x3: {  	s7 =	rddreg [dreg:$0x2]  }
0x4: {  	s0 =	rddreg [dreg:$0x3];
	s2 =	simm.s32 $0x0;
	s4 =	srdreg.scid  }
0x5: {  	s1 =	stileid.u32;
	s5 =	simm.s32 $0x4000;
	[smem:$0x7FF] =	sst s2  }
0x6: {  	s3 =	sadd.s32 $0x600, s3;
	s8 =	sand.u32 $0x1, s4;
	s9 =	sshll.u32 s1, $0x8  }
0x7: {  	s4 =	simm.s32 $0x1;
	_ =	strace $0x80000047;
	s10 =	sshll.u32 s8, $0x7  }
0x8: {  	[tilespmem:s5], [sflag:$0x1] =	stream.linear.gather [hbm4b:s3+s2], $0x80, $0x38;
	[tilespmem:$0x4080] =	vst v63  }
0x9: {  	s10 =	sor.u32 s10, s9;
	_ =	swait.ge [sflag:s4], $0x80  }
0xa: {  	s9 =	sshll.u32 s10, $0x4;
	[sflag:s4] =	ssyncset.done $0x0  }
0xb: {  	s6 =	sadd.s32 s6, s9;
	[sflag:s4] =	ssyncadd.s32 $0xFFFFFF80  }
0xc: {  	[tilespmem:s2], [sflag:$0x1] =	stream.linear.gather [hbm4b:s6+s2], $0x4000, $0x38;
	[tilespmem:$0x4080] =	vst v63  }
0xd: {  	_ =	swait.ge [sflag:s4], $0x4000  }
0xe: {  	[sflag:s4] =	ssyncset.done $0x0  }
0xf: {  	[sflag:s4] =	ssyncadd.s32 $0xFFFFC000  }
0x10: {  	v23 =	vld [tilespmem:$0x4000];
	_ =	sdelay $0x2  }
0x11: {  	v19 =	vlaneseq.u32  }
0x12: {  	v0 =	vor.u32 s10, v19  }
0x13: {  	v2 =	vor.u32 $0x10, v19;
	v1 =	vmul.u32 $0x80, v19;
	vm0 =	vne.s32 v0, v23  }
0x14: {  	v2 =	vor.u32 s10, v2  }
0x15: {  	v4 =	vor.u32 $0x20, v19;
	v3 =	vor.u32 $0x1, v1;
	vm1 =	vne.s32 v2, v23  }
0x16: {  	v5 =	vor.u32 $0x800, v1;
	v4 =	vor.u32 s10, v4  }
0x17: {  	v7 =	vor.u32 $0x30, v19;
	v6 =	vor.u32 $0x801, v1;
	vm2 =	vne.s32 v4, v23  }
0x18: {  	v8 =	vimm.f32 $0.0e+00;
	v9 =	vor.u32 $0x1000, v1;
	v7 =	vor.u32 s10, v7  }
0x19: {  	v11 =	vor.u32 $0x40, v19;
	v10 =	vor.u32 $0x1001, v1;
	vm3 =	vne.s32 v7, v23;
	[tilespmem:v1+s2+$0x0] =	vst.idx.msk vm0, v8  }
0x1a: {  	v12 =	vor.u32 $0x1800, v1;
	v11 =	vor.u32 s10, v11;
	[tilespmem:v3+s2+$0x0] =	vst.idx.msk vm0, v8  }
0x1b: {  	v14 =	vor.u32 $0x50, v19;
	v13 =	vor.u32 $0x1801, v1;
	vm12 =	vne.s32 v11, v23;
	[tilespmem:v5+s2+$0x0] =	vst.idx.msk vm1, v8  }
0x1c: {  	v15 =	vor.u32 $0x2000, v1;
	v14 =	vor.u32 s10, v14;
	[tilespmem:v6+s2+$0x0] =	vst.idx.msk vm1, v8  }
0x1d: {  	v17 =	vor.u32 $0x60, v19;
	v16 =	vor.u32 $0x2001, v1;
	vm13 =	vne.s32 v14, v23;
	[tilespmem:v9+s2+$0x0] =	vst.idx.msk vm2, v8  }
0x1e: {  	v18 =	vor.u32 $0x2800, v1;
	v17 =	vor.u32 s10, v17;
	[tilespmem:v10+s2+$0x0] =	vst.idx.msk vm2, v8  }
0x1f: {  	v20 =	vor.u32 $0x70, v19;
	v19 =	vor.u32 $0x2801, v1;
	vm14 =	vne.s32 v17, v23;
	[tilespmem:v12+s2+$0x0] =	vst.idx.msk vm3, v8  }
0x20: {  	v21 =	vor.u32 $0x3000, v1;
	v20 =	vor.u32 s10, v20;
	[tilespmem:v13+s2+$0x0] =	vst.idx.msk vm3, v8  }
0x21: {  	v22 =	vor.u32 $0x3001, v1;
	vm15 =	vne.s32 v20, v23;
	[tilespmem:v15+s2+$0x0] =	vst.idx.msk vm12, v8  }
0x22: {  	s8 =	ssub.s32 $0x2, s8;
	v23 =	vor.u32 $0x3800, v1;
	[tilespmem:v16+s2+$0x0] =	vst.idx.msk vm12, v8  }
0x23: {  	v24 =	vor.u32 $0x3801, v1;
	s31 =	sshrl.u32 s8, $0x1;
	[tilespmem:v18+s2+$0x0] =	vst.idx.msk vm13, v8  }
0x24: {  	s8 =	ssub.s32 s8, s31;
	[tilespmem:v19+s2+$0x0] =	vst.idx.msk vm13, v8  }
0x25: {  	s8 =	smax.u32 s8, $0x1;
	[tilespmem:v21+s2+$0x0] =	vst.idx.msk vm14, v8  }
0x26: {  	p0 =	sne.s32 s8, $0x1;
	[tilespmem:v22+s2+$0x0] =	vst.idx.msk vm14, v8  }
.Ltmp0:
0x27: {  	[tilespmem:v23+s2+$0x0] =	vst.idx.msk vm15, v8;
	(pc) =	sbr.rel @!p0 .LBB2_2-.Ltmp0, $4  }
0x28: {  	s7 =	sadd.s32 s7, s9;
	[tilespmem:v24+s2+$0x0] =	vst.idx.msk vm15, v8  }
0x29: {  	[hbm4b:s7+s2] =	stream.linear.scatter [tilespmem:s2], [sflag:$0x1], $0x4000, $0x38;
	[tilespmem:$0x4080] =	vst v63  }
0x2a: {  	_ =	swait.ge [sflag:s4], $0x4000  }
0x2b: {  	s8 =	sadd.s32 $0xFFFFFFFF, s8;
	[sflag:s4] =	ssyncset.done $0x0  }
.LBB2_1:
0x2c: {  	p0 =	sne.s32 s8, $0x1;
	s8 =	sadd.s32 $0xFFFFFFFF, s8;
	[sflag:s4] =	ssyncadd.s32 $0xFFFFC000  }
0x2d: {  	[tilespmem:s5], [sflag:$0x1] =	stream.linear.gather [hbm4b:s3+s2], $0x80, $0x38;
	[tilespmem:$0x4080] =	vst v63  }
0x2e: {  	_ =	swait.ge [sflag:s4], $0x80  }
0x2f: {  	[sflag:s4] =	ssyncset.done $0x0  }
0x30: {  	[sflag:s4] =	ssyncadd.s32 $0xFFFFFF80  }
0x31: {  	[tilespmem:s2], [sflag:$0x1] =	stream.linear.gather [hbm4b:s6+s2], $0x4000, $0x38;
	[tilespmem:$0x4080] =	vst v63  }
0x32: {  	_ =	swait.ge [sflag:s4], $0x4000  }
0x33: {  	[sflag:s4] =	ssyncset.done $0x0  }
0x34: {  	[sflag:s4] =	ssyncadd.s32 $0xFFFFC000  }
0x35: {  	v25 =	vld [tilespmem:$0x4000];
	_ =	sdelay $0x4  }
0x36: {  	vm0 =	vne.s32 v0, v25;
	_ =	sdelay $0x1  }
0x37: {  	vm1 =	vne.s32 v2, v25;
	_ =	sdelay $0x1  }
0x38: {  	vm2 =	vne.s32 v4, v25;
	_ =	sdelay $0x1  }
0x39: {  	vm3 =	vne.s32 v7, v25;
	[tilespmem:v1+s2+$0x0] =	vst.idx.msk vm0, v8  }
0x3a: {  	[tilespmem:v3+s2+$0x0] =	vst.idx.msk vm0, v8  }
0x3b: {  	vm0 =	vne.s32 v11, v25;
	[tilespmem:v5+s2+$0x0] =	vst.idx.msk vm1, v8  }
0x3c: {  	[tilespmem:v6+s2+$0x0] =	vst.idx.msk vm1, v8  }
0x3d: {  	vm1 =	vne.s32 v14, v25;
	[tilespmem:v9+s2+$0x0] =	vst.idx.msk vm2, v8  }
0x3e: {  	[tilespmem:v10+s2+$0x0] =	vst.idx.msk vm2, v8  }
0x3f: {  	vm2 =	vne.s32 v17, v25;
	[tilespmem:v12+s2+$0x0] =	vst.idx.msk vm3, v8  }
0x40: {  	[tilespmem:v13+s2+$0x0] =	vst.idx.msk vm3, v8  }
0x41: {  	vm3 =	vne.s32 v20, v25;
	[tilespmem:v15+s2+$0x0] =	vst.idx.msk vm0, v8  }
0x42: {  	[tilespmem:v16+s2+$0x0] =	vst.idx.msk vm0, v8  }
0x43: {  	[tilespmem:v18+s2+$0x0] =	vst.idx.msk vm1, v8  }
0x44: {  	[tilespmem:v19+s2+$0x0] =	vst.idx.msk vm1, v8  }
0x45: {  	[tilespmem:v21+s2+$0x0] =	vst.idx.msk vm2, v8  }
0x46: {  	[tilespmem:v22+s2+$0x0] =	vst.idx.msk vm2, v8  }
.Ltmp1:
0x47: {  	[tilespmem:v23+s2+$0x0] =	vst.idx.msk vm3, v8;
	(pc) =	sbr.rel @p0 .LBB2_1-.Ltmp1, $4  }
0x48: {  	[tilespmem:v24+s2+$0x0] =	vst.idx.msk vm3, v8  }
0x49: {  	[hbm4b:s7+s2] =	stream.linear.scatter [tilespmem:s2], [sflag:$0x1], $0x4000, $0x38;
	[tilespmem:$0x4080] =	vst v63  }
0x4a: {  	_ =	swait.ge [sflag:s4], $0x4000  }
0x4b: {  	[sflag:s4] =	ssyncset.done $0x0  }
.LBB2_2:
0x4c: {  	[sflag:s4] =	ssyncadd.s32 $0xFFFFC000  }
0x4d: {  	_ =	sfence.sel $0x180000  }
0x4e: {  	[bflag:$0x0] =	sbarrier.arrive $0xFFFF  }
0x4f: {  	p0 =	sne.s32 s1, $0x0;
	_ =	strace $0x90000047  }
0x50: {  	s0 =	sadd.s32 @!p0 $0x100000, s0;
	[bflag:$0x2] =	sbarrier.arrive $0xFFFF  }
0x51: {  	[sflag:s0] =	ssyncadd.tile.s32 @!p0 $0x1;
	_ =	shalt  }
.Lfunc_end2:
_tile_overlayer_lowered:
.L_overlay_start_2:
0x52: {  	(tag) =	ssettag $0x2  }
0x53: {  	s0 =	rddreg [dreg:$0x0];
	s2 =	stileid.u32  }
0x54: {  	s1 =	rddreg [dreg:$0x1];
	p0 =	sne.s32 s2, $0x0  }
0x55: {  	s3 =	rddreg [dreg:$0x2];
	[bflag:$0x3] =	sbarrier.arrive $0xFFFF;
	s2 =	simm.s32 @!p0 $0x1C01  }
0x56: {  	[timem:s3], [sflag:s2] =	dma.local @!p0 [hbm:s0], s1  }
0x57: {  	s0 =	simm.s32 @!p0 $0x1  }
0x58: {  	_ =	swait.ge @!p0 [sflag:s0], s1  }
0x59: {  	s1 =	ssub.s32 @!p0 $0x0, s1;
	[sflag:s0] =	ssyncset.done @!p0 $0x0  }
0x5a: {  	[sflag:s0] =	ssyncadd.s32 @!p0 s1  }
0x5b: {  	[bflag:$0x3] =	sbarrier.arrive $0xFFFF  }
0x5c: {  	_ =	shalt  }

</sc_bundles>
